<compile_context>
chip_gen: v7x
topology: tpu7x:2x2x1
jax: 0.10.2.dev20260603
libtpu: 0.0.44.dev20260713+nightly
codegen_flags: <defaults>
</compile_context>

<pallas_src>
import functools

import jax
import jax.numpy as jnp
from jax.experimental import pallas as pl

_K = 16
_DEC = 4



def _knn_kern(full_ref, rows_ref, out_ref, *, s, t, k):
    d = None
    for c in range(3):
        a = rows_ref[0, :, c:c + 1]
        b = full_ref[0, c:c + 1, :]
        diff = a - b
        d = diff * diff if d is None else d + diff * diff
    col = jax.lax.broadcasted_iota(jnp.int32, (t, s), 1)
    outs = []
    for j in range(k):
        idx = jnp.argmin(d, axis=1, keepdims=True).astype(jnp.int32)
        outs.append(idx)
        if j + 1 < k:
            d = jnp.where(col == idx, jnp.inf, d)
    out_ref[...] = jnp.concatenate(outs, axis=1).reshape(1, t, k)


def _knn(pos, s, k):
    n = pos.shape[0]
    b = n // s
    p = pos.reshape(b, s, 3)
    pt = p.transpose(0, 2, 1)
    t = 512 if s >= 1024 else s
    grid = (b, s // t)
    idx = pl.pallas_call(
        functools.partial(_knn_kern, s=s, t=t, k=k),
        grid=grid,
        in_specs=[
            pl.BlockSpec((1, 3, s), lambda i, j: (i, 0, 0)),
            pl.BlockSpec((1, t, 3), lambda i, j: (i, j, 0)),
        ],
        out_specs=pl.BlockSpec((1, t, k), lambda i, j: (i, j, 0)),
        out_shape=jax.ShapeDtypeStruct((b, s, k), jnp.int32),
    )(pt, p)
    idx = idx + (jnp.arange(b, dtype=jnp.int32) * s)[:, None, None]
    return idx.reshape(-1, k)


def _interp_kern(fullt_ref, rows_ref, x_ref, out_ref, *, sc, t):
    d = None
    for c in range(3):
        a = rows_ref[0, :, c:c + 1]
        b = fullt_ref[0, c:c + 1, :]
        diff = a - b
        d = diff * diff if d is None else d + diff * diff
    col = jax.lax.broadcasted_iota(jnp.int32, (t, sc), 1)
    m = jnp.min(d, axis=1, keepdims=True)
    idx = jnp.min(jnp.where(d == m, col, sc), axis=1, keepdims=True)
    onehot = (col == idx).astype(jnp.float32)
    out_ref[...] = jax.lax.dot(
        onehot, x_ref[0], precision=jax.lax.Precision.HIGHEST,
        preferred_element_type=jnp.float32)[None]


def _interp(x, pos, pos_skip, s, s_skip):
    b = pos.shape[0] // s
    c = x.shape[1]
    pt = pos.reshape(b, s, 3).transpose(0, 2, 1)
    pf = pos_skip.reshape(b, s_skip, 3)
    xc = x.reshape(b, s, c)
    t = min(s_skip, 512)
    grid = (b, s_skip // t)
    out = pl.pallas_call(
        functools.partial(_interp_kern, sc=s, t=t),
        grid=grid,
        in_specs=[
            pl.BlockSpec((1, 3, s), lambda i, j: (i, 0, 0)),
            pl.BlockSpec((1, t, 3), lambda i, j: (i, j, 0)),
            pl.BlockSpec((1, s, c), lambda i, j: (i, 0, 0)),
        ],
        out_specs=pl.BlockSpec((1, t, c), lambda i, j: (i, j, 0)),
        out_shape=jax.ShapeDtypeStruct((b, s_skip, c), jnp.float32),
    )(pt, pf, xc)
    return out.reshape(b * s_skip, c)



def _apply_mlp(layers, x, act=True):
    for layer in layers:
        h = x @ layer['lin']['W']
        if 'b' in layer['lin']:
            h = h + layer['lin']['b']
        if 'bn' in layer:
            shp = h.shape
            h2 = h.reshape(-1, shp[-1])
            mu = h2.mean(0)
            var = h2.var(0)
            h2 = (h2 - mu) / jnp.sqrt(var + 1e-5) * layer['bn']['gamma'] + layer['bn']['beta']
            h = h2.reshape(shp)
        if act:
            h = jax.nn.leaky_relu(h, 0.2)
        x = h
    return x


def _lfa(p, x, pos, nbr):
    x_j = x[nbr]
    pos_j = pos[nbr]
    pos_i = jnp.broadcast_to(pos[:, None, :], pos_j.shape)
    pos_diff = pos_j - pos_i
    sq = jnp.sum(pos_diff ** 2, -1, keepdims=True)
    dist = jnp.where(sq > 0, jnp.sqrt(jnp.where(sq > 0, sq, 1.0)), 0.0)
    rel = jnp.concatenate([pos_i, pos_j, pos_diff, dist], -1)
    enc = _apply_mlp(p['enc'], rel)
    local = jnp.concatenate([x_j, enc], -1)
    att = _apply_mlp(p['att'], local, act=False)
    scores = jax.nn.softmax(att, axis=1)
    agg = jnp.sum(scores * local, axis=1)
    return _apply_mlp(p['post'], agg)


def _drb(p, x, pos, s):
    nbr = _knn(pos, s, _K)
    sc = _apply_mlp(p['shortcut'], x, act=False)
    h = _apply_mlp(p['mlp1'], x)
    h = _lfa(p['lfa1'], h, pos, nbr)
    h = _lfa(p['lfa2'], h, pos, nbr)
    h = _apply_mlp(p['mlp2'], h, act=False)
    return jax.nn.leaky_relu(h + sc, 0.2)


def _decim_idx(seed, n, s, dec):
    b = n // s
    sd = s // dec
    parts = []
    for i in range(b):
        perm = jax.random.permutation(
            jax.random.fold_in(jax.random.key(100 + seed), i), s)[:sd]
        parts.append(perm + i * s)
    return jnp.concatenate(parts)


def kernel(x, pos, batch, ptr, params):
    s1 = pos.shape[0] // (ptr.shape[0] - 1)
    s2 = s1 // _DEC
    s3 = s2 // _DEC
    s4 = s3 // _DEC
    s5 = s4 // _DEC
    h0 = x @ params['fc0']['W'] + params['fc0']['b']
    x1 = _drb(params['block1'], h0, pos, s1)
    i1 = _decim_idx(1, x1.shape[0], s1, _DEC)
    x1d = x1[i1]; p1d = pos[i1]
    x2 = _drb(params['block2'], x1d, p1d, s2)
    i2 = _decim_idx(2, x2.shape[0], s2, _DEC)
    x2d = x2[i2]; p2d = p1d[i2]
    x3 = _drb(params['block3'], x2d, p2d, s3)
    i3 = _decim_idx(3, x3.shape[0], s3, _DEC)
    x3d = x3[i3]; p3d = p2d[i3]
    x4 = _drb(params['block4'], x3d, p3d, s4)
    i4 = _decim_idx(4, x4.shape[0], s4, _DEC)
    x4d = x4[i4]; p4d = p3d[i4]
    xs = _apply_mlp(params['mlp_summit'], x4d)
    u = _interp(xs, p4d, p3d, s5, s4)
    f4 = _apply_mlp(params['fp4'], jnp.concatenate([u, x3d], 1))
    u = _interp(f4, p3d, p2d, s4, s3)
    f3 = _apply_mlp(params['fp3'], jnp.concatenate([u, x2d], 1))
    u = _interp(f3, p2d, p1d, s3, s2)
    f2 = _apply_mlp(params['fp2'], jnp.concatenate([u, x1d], 1))
    u = _interp(f2, p1d, pos, s2, s1)
    f1 = _apply_mlp(params['fp1'], jnp.concatenate([u, x1], 1))
    h = _apply_mlp(params['mlp_classif'], f1)
    logits = h @ params['fc_classif']['W'] + params['fc_classif']['b']
    return jax.nn.log_softmax(logits, axis=-1)

# --- scband reference (transcript-rebuilt; emitter-appended) ---
"""Pipeline reference for scband-net-64982855188851 (READ-ONLY COPY).

The authoritative reference and input builder live on the scoring server;
editing this copy changes nothing except your own understanding.
"""

import jax, jax.numpy as jnp
import numpy as np

B = 4
S0 = 4096
N0 = B * S0
K = 16
DEC = 4
NUM_FEATURES = 6
NUM_CLASSES = 13
DB = 32

def _lin_init(key, din, dout, bias=True):
    k1, k2 = jax.random.split(key)
    lim = 1.0 / np.sqrt(din)
    p = {'W': jax.random.uniform(k1, (din, dout), jnp.float32, -lim, lim)}
    if bias:
        p['b'] = jax.random.uniform(k2, (dout,), jnp.float32, -lim, lim)
    return p

def _mlp_init(key, channels, bias=True, norm=True):
    layers = []
    ks = jax.random.split(key, len(channels) - 1)
    for i in range(len(channels) - 1):
        layer = {'lin': _lin_init(ks[i], channels[i], channels[i + 1], bias)}
        if norm:
            layer['bn'] = {'gamma': jnp.ones((channels[i + 1],), jnp.float32), 'beta': jnp.zeros((channels[i + 1],), jnp.float32)}
        layers.append(layer)
    return layers

def _lfa_init(key, channels):
    k1, k2, k3 = jax.random.split(key, 3)
    return {'enc': _mlp_init(k1, [10, channels // 2]),
            'att': _mlp_init(k2, [channels, channels], bias=False, norm=False),
            'post': _mlp_init(k3, [channels, channels])}

def _drb_init(key, d_in, d_out):
    k1, k2, k3, k4, k5 = jax.random.split(key, 5)
    return {'mlp1': _mlp_init(k1, [d_in, d_out // 8]),
            'shortcut': _mlp_init(k2, [d_in, d_out]),
            'mlp2': _mlp_init(k3, [d_out // 2, d_out]),
            'lfa1': _lfa_init(k4, d_out // 4),
            'lfa2': _lfa_init(k5, d_out // 2)}

def _init_params(key):
    ks = jax.random.split(key, 12)
    return {'fc0': _lin_init(ks[0], NUM_FEATURES, DB),
            'block1': _drb_init(ks[1], DB, 32),
            'block2': _drb_init(ks[2], 32, 128),
            'block3': _drb_init(ks[3], 128, 256),
            'block4': _drb_init(ks[4], 256, 512),
            'mlp_summit': _mlp_init(ks[5], [512, 512]),
            'fp4': _mlp_init(ks[6], [512 + 256, 256]),
            'fp3': _mlp_init(ks[7], [256 + 128, 128]),
            'fp2': _mlp_init(ks[8], [128 + 32, 32]),
            'fp1': _mlp_init(ks[9], [32 + 32, DB]),
            'mlp_classif': _mlp_init(ks[10], [DB, 64, 32]),
            'fc_classif': _lin_init(ks[11], 32, NUM_CLASSES)}

def _apply_mlp(layers, x, act=True):
    for layer in layers:
        h = x @ layer['lin']['W']
        if 'b' in layer['lin']:
            h = h + layer['lin']['b']
        if 'bn' in layer:
            shp = h.shape
            h2 = h.reshape(-1, shp[-1])
            mu = h2.mean(0)
            var = h2.var(0)
            h2 = (h2 - mu) / jnp.sqrt(var + 1e-5) * layer['bn']['gamma'] + layer['bn']['beta']
            h = h2.reshape(shp)
        if act:
            h = jax.nn.leaky_relu(h, 0.2)
        x = h
    return x

def _knn_idx(pos, s, k):
    p = jax.lax.stop_gradient(pos).reshape(-1, s, 3)
    def per_cloud(pc):
        d = jnp.sum((pc[:, None, :] - pc[None, :, :]) ** 2, -1)
        return jax.lax.top_k(-d, k)[1]
    idx = jax.lax.map(per_cloud, p)
    idx = idx + (jnp.arange(p.shape[0]) * s)[:, None, None]
    return idx.reshape(-1, k)

def _lfa(p, x, pos, nbr):
    x_j = x[nbr]
    pos_j = pos[nbr]
    pos_i = jnp.broadcast_to(pos[:, None, :], pos_j.shape)
    pos_diff = pos_j - pos_i
    sq = jnp.sum(pos_diff ** 2, -1, keepdims=True)
    dist = jnp.where(sq > 0, jnp.sqrt(jnp.where(sq > 0, sq, 1.0)), 0.0)
    rel = jnp.concatenate([pos_i, pos_j, pos_diff, dist], -1)
    enc = _apply_mlp(p['enc'], rel)
    local = jnp.concatenate([x_j, enc], -1)
    att = _apply_mlp(p['att'], local, act=False)
    scores = jax.nn.softmax(att, axis=1)
    agg = jnp.sum(scores * local, axis=1)
    return _apply_mlp(p['post'], agg)

def _drb(p, x, pos, s):
    nbr = _knn_idx(pos, s, K)
    sc = _apply_mlp(p['shortcut'], x, act=False)
    h = _apply_mlp(p['mlp1'], x)
    h = _lfa(p['lfa1'], h, pos, nbr)
    h = _lfa(p['lfa2'], h, pos, nbr)
    h = _apply_mlp(p['mlp2'], h, act=False)
    return jax.nn.leaky_relu(h + sc, 0.2)

def _decim_idx(seed, n, s, dec):
    b = n // s
    sd = s // dec
    parts = []
    for i in range(b):
        perm = jax.random.permutation(jax.random.fold_in(jax.random.key(100 + seed), i), s)[:sd]
        parts.append(perm + i * s)
    return jnp.concatenate(parts)

def _interp1(x, pos, pos_skip, s, s_skip):
    p = jax.lax.stop_gradient(pos).reshape(-1, s, 3)
    ps = jax.lax.stop_gradient(pos_skip).reshape(-1, s_skip, 3)
    def per_cloud(args):
        pc, psc = args
        d = jnp.sum((psc[:, None, :] - pc[None, :, :]) ** 2, -1)
        return jnp.argmin(d, axis=1)
    nn = jax.lax.map(per_cloud, (p, ps))
    nn = nn + (jnp.arange(p.shape[0]) * s)[:, None]
    return x[nn.reshape(-1)]

def _forward(params, x, pos):
    s1 = S0
    s2 = s1 // DEC
    s3 = s2 // DEC
    s4 = s3 // DEC
    s5 = s4 // DEC
    h0 = x @ params['fc0']['W'] + params['fc0']['b']
    x1 = _drb(params['block1'], h0, pos, s1)
    i1 = _decim_idx(1, x1.shape[0], s1, DEC)
    x1d = x1[i1]; p1d = pos[i1]
    x2 = _drb(params['block2'], x1d, p1d, s2)
    i2 = _decim_idx(2, x2.shape[0], s2, DEC)
    x2d = x2[i2]; p2d = p1d[i2]
    x3 = _drb(params['block3'], x2d, p2d, s3)
    i3 = _decim_idx(3, x3.shape[0], s3, DEC)
    x3d = x3[i3]; p3d = p2d[i3]
    x4 = _drb(params['block4'], x3d, p3d, s4)
    i4 = _decim_idx(4, x4.shape[0], s4, DEC)
    x4d = x4[i4]; p4d = p3d[i4]
    xs = _apply_mlp(params['mlp_summit'], x4d)
    u = _interp1(xs, p4d, p3d, s5, s4)
    f4 = _apply_mlp(params['fp4'], jnp.concatenate([u, x3d], 1))
    u = _interp1(f4, p3d, p2d, s4, s3)
    f3 = _apply_mlp(params['fp3'], jnp.concatenate([u, x2d], 1))
    u = _interp1(f3, p2d, p1d, s3, s2)
    f2 = _apply_mlp(params['fp2'], jnp.concatenate([u, x1d], 1))
    u = _interp1(f2, p1d, pos, s2, s1)
    f1 = _apply_mlp(params['fp1'], jnp.concatenate([u, x1], 1))
    h = _apply_mlp(params['mlp_classif'], f1)
    logits = h @ params['fc_classif']['W'] + params['fc_classif']['b']
    return jax.nn.log_softmax(logits, axis=-1)

def setup_inputs(seed: int = 0):
    key = jax.random.key(seed)
    k1, k2, k3 = jax.random.split(key, 3)
    x = jax.random.normal(k1, (N0, NUM_FEATURES), jnp.float32)
    pos = jax.random.normal(k2, (N0, 3), jnp.float32)
    batch = jnp.repeat(jnp.arange(B, dtype=jnp.int32), S0)
    ptr = jnp.arange(B + 1, dtype=jnp.int32) * S0
    params = _init_params(k3)
    return {'x': x, 'pos': pos, 'batch': batch, 'ptr': ptr, 'params': params}

def reference(x, pos, batch, ptr, params):
    return _forward(params, x, pos)

if __name__ == "__main__":
    import jax
    _d = setup_inputs()
    print(jax.jit(kernel)(*tuple(_d.values())))

</pallas_src>

<mosaic_0001>
module attributes {stable_mosaic.version = 14 : i64} {
  func.func @_interp_kern(%arg0: i32, %arg1: i32, %arg2: memref<1x3x16xf32, #tpu.memory_space<vmem>>, %arg3: memref<1x64x3xf32, #tpu.memory_space<vmem>>, %arg4: memref<1x16x512xf32, #tpu.memory_space<vmem>>, %arg5: memref<1x64x512xf32, #tpu.memory_space<vmem>>) attributes {dimension_semantics = [#tpu.dimension_semantics<arbitrary>, #tpu.dimension_semantics<arbitrary>], iteration_bounds = array<i64: 4, 1>, scalar_prefetch = 0 : i64, scratch_operands = 0 : i64, tpu.core_type = #tpu.core_type<tc>, window_params = [{transform_indices = @transform_0, window_bounds = array<i64: 1, 3, 16>}, {transform_indices = @transform_1, window_bounds = array<i64: 1, 64, 3>}, {transform_indices = @transform_2, window_bounds = array<i64: 1, 16, 512>}, {transform_indices = @transform_3, window_bounds = array<i64: 1, 64, 512>}]} {
    %get3A = arith.constant 0 : index
    %get3A_0 = arith.constant 0 : index
    %get3A_1 = arith.constant 0 : index
    %get3A_2 = vector.load %arg3[%get3A, %get3A_0, %get3A_1] : memref<1x64x3xf32, #tpu.memory_space<vmem>>, vector<1x64x1xf32>
    %get3A_3 = vector.shape_cast %get3A_2 : vector<1x64x1xf32> to vector<64x1xf32>
    %get3A_4 = arith.constant 0 : index
    %get3A_5 = arith.constant 0 : index
    %get3A_6 = arith.constant 0 : index
    %get3A_7 = vector.load %arg2[%get3A_4, %get3A_5, %get3A_6] : memref<1x3x16xf32, #tpu.memory_space<vmem>>, vector<1x1x16xf32>
    %get3A_8 = vector.shape_cast %get3A_7 : vector<1x1x16xf32> to vector<1x16xf32>
    %sub3A = vector.broadcast %get3A_3 : vector<64x1xf32> to vector<64x16xf32>
    %sub3A_9 = vector.broadcast %get3A_8 : vector<1x16xf32> to vector<64x16xf32>
    %sub3A_10 = arith.subf %sub3A, %sub3A_9 : vector<64x16xf32>
    %mul3A = arith.mulf %sub3A_10, %sub3A_10 : vector<64x16xf32>
    %get3A_11 = arith.constant 0 : index
    %get3A_12 = arith.constant 0 : index
    %get3A_13 = arith.constant 1 : index
    %get3A_14 = vector.load %arg3[%get3A_11, %get3A_12, %get3A_13] : memref<1x64x3xf32, #tpu.memory_space<vmem>>, vector<1x64x1xf32>
    %get3A_15 = vector.shape_cast %get3A_14 : vector<1x64x1xf32> to vector<64x1xf32>
    %get3A_16 = arith.constant 0 : index
    %get3A_17 = arith.constant 1 : index
    %get3A_18 = arith.constant 0 : index
    %get3A_19 = vector.load %arg2[%get3A_16, %get3A_17, %get3A_18] : memref<1x3x16xf32, #tpu.memory_space<vmem>>, vector<1x1x16xf32>
    %get3A_20 = vector.shape_cast %get3A_19 : vector<1x1x16xf32> to vector<1x16xf32>
    %sub3A_21 = vector.broadcast %get3A_15 : vector<64x1xf32> to vector<64x16xf32>
    %sub3A_22 = vector.broadcast %get3A_20 : vector<1x16xf32> to vector<64x16xf32>
    %sub3A_23 = arith.subf %sub3A_21, %sub3A_22 : vector<64x16xf32>
    %mul3A_24 = arith.mulf %sub3A_23, %sub3A_23 : vector<64x16xf32>
    %add3A = arith.addf %mul3A, %mul3A_24 : vector<64x16xf32>
    %get3A_25 = arith.constant 0 : index
    %get3A_26 = arith.constant 0 : index
    %get3A_27 = arith.constant 2 : index
    %get3A_28 = vector.load %arg3[%get3A_25, %get3A_26, %get3A_27] : memref<1x64x3xf32, #tpu.memory_space<vmem>>, vector<1x64x1xf32>
    %get3A_29 = vector.shape_cast %get3A_28 : vector<1x64x1xf32> to vector<64x1xf32>
    %get3A_30 = arith.constant 0 : index
    %get3A_31 = arith.constant 2 : index
    %get3A_32 = arith.constant 0 : index
    %get3A_33 = vector.load %arg2[%get3A_30, %get3A_31, %get3A_32] : memref<1x3x16xf32, #tpu.memory_space<vmem>>, vector<1x1x16xf32>
    %get3A_34 = vector.shape_cast %get3A_33 : vector<1x1x16xf32> to vector<1x16xf32>
    %sub3A_35 = vector.broadcast %get3A_29 : vector<64x1xf32> to vector<64x16xf32>
    %sub3A_36 = vector.broadcast %get3A_34 : vector<1x16xf32> to vector<64x16xf32>
    %sub3A_37 = arith.subf %sub3A_35, %sub3A_36 : vector<64x16xf32>
    %mul3A_38 = arith.mulf %sub3A_37, %sub3A_37 : vector<64x16xf32>
    %add3A_39 = arith.addf %add3A, %mul3A_38 : vector<64x16xf32>
    %iota3A = tpu.iota {dimensions = array<i32: 1>} : vector<64x16xi32>
    %reduce_min3A = arith.constant dense<0x7F800000> : vector<64xf32>
    %reduce_min3A_40 = vector.multi_reduction <minimumf>, %add3A_39, %reduce_min3A [1] : vector<64x16xf32> to vector<64xf32>
    %broadcast_in_dim3A = vector.shape_cast %reduce_min3A_40 : vector<64xf32> to vector<64x1xf32>
    %eq3A = vector.broadcast %broadcast_in_dim3A : vector<64x1xf32> to vector<64x16xf32>
    %eq3A_41 = arith.cmpf oeq, %add3A_39, %eq3A : vector<64x16xf32>
    %jit3A = arith.constant 16 : i32
    %broadcast_in_dim3A_42 = vector.broadcast %jit3A : i32 to vector<64x16xi32>
    %select_n3A = arith.select %eq3A_41, %iota3A, %broadcast_in_dim3A_42 : vector<64x16xi1>, vector<64x16xi32>
    %reduce_min3A_43 = arith.constant dense<2147483647> : vector<64xi32>
    %reduce_min3A_44 = vector.multi_reduction <minsi>, %select_n3A, %reduce_min3A_43 [1] : vector<64x16xi32> to vector<64xi32>
    %broadcast_in_dim3A_45 = vector.shape_cast %reduce_min3A_44 : vector<64xi32> to vector<64x1xi32>
    %eq3A_46 = vector.broadcast %broadcast_in_dim3A_45 : vector<64x1xi32> to vector<64x16xi32>
    %eq3A_47 = arith.cmpi eq, %iota3A, %eq3A_46 : vector<64x16xi32>
    %convert_element_type3A = arith.extui %eq3A_47 : vector<64x16xi1> to vector<64x16xi32>
    %convert_element_type3A_48 = arith.sitofp %convert_element_type3A : vector<64x16xi32> to vector<64x16xf32>
    %get3A_49 = arith.constant 0 : index
    %get3A_50 = arith.constant 0 : index
    %get3A_51 = arith.constant 0 : index
    %get3A_52 = vector.load %arg4[%get3A_49, %get3A_50, %get3A_51] : memref<1x16x512xf32, #tpu.memory_space<vmem>>, vector<1x16x512xf32>
    %get3A_53 = vector.shape_cast %get3A_52 : vector<1x16x512xf32> to vector<16x512xf32>
    %dot_general3A = arith.constant dense<0.000000e+00> : vector<64x512xf32>
    %dot_general3A_54 = tpu.matmul %convert_element_type3A_48, %get3A_53, %dot_general3A {dimension_numbers = #tpu.dot_dimension_numbers<[1], [0], [0], [1], [0, 0, 1, 1], [], []>, precision = #tpu.contract_precision<fp32>, transpose_lhs_hint = false} : vector<64x16xf32>, vector<16x512xf32>, vector<64x512xf32> -> vector<64x512xf32>
    %broadcast_in_dim3A_55 = vector.shape_cast %dot_general3A_54 : vector<64x512xf32> to vector<1x64x512xf32>
    %swap3A = arith.constant 0 : index
    %swap3A_56 = arith.constant 0 : index
    %swap3A_57 = arith.constant 0 : index
    %swap3A_58 = vector.load %arg5[%swap3A, %swap3A_56, %swap3A_57] : memref<1x64x512xf32, #tpu.memory_space<vmem>>, vector<1x64x512xf32>
    tpu.vector_store %arg5[%swap3A, %swap3A_56, %swap3A_57], %broadcast_in_dim3A_55 {strides = array<i32>} : memref<1x64x512xf32, #tpu.memory_space<vmem>>, vector<1x64x512xf32>,
    return
  }
  func.func @transform_0(%arg0: i32, %arg1: i32) -> (i32, i32, i32) {
    %c0_i32 = arith.constant 0 : i32
    %c0_i32_0 = arith.constant 0 : i32
    %c0_i32_1 = arith.constant 0 : i32
    return %arg0, %c0_i32, %c0_i32_0 : i32, i32, i32
  }
  func.func @transform_1(%arg0: i32, %arg1: i32) -> (i32, i32, i32) {
    %c0_i32 = arith.constant 0 : i32
    %c0_i32_0 = arith.constant 0 : i32
    return %arg0, %arg1, %c0_i32 : i32, i32, i32
  }
  func.func @transform_2(%arg0: i32, %arg1: i32) -> (i32, i32, i32) {
    %c0_i32 = arith.constant 0 : i32
    %c0_i32_0 = arith.constant 0 : i32
    %c0_i32_1 = arith.constant 0 : i32
    return %arg0, %c0_i32, %c0_i32_0 : i32, i32, i32
  }
  func.func @transform_3(%arg0: i32, %arg1: i32) -> (i32, i32, i32) {
    %c0_i32 = arith.constant 0 : i32
    %c0_i32_0 = arith.constant 0 : i32
    return %arg0, %arg1, %c0_i32 : i32, i32, i32
  }
}

module attributes {stable_mosaic.version = 14 : i64} {
  func.func @_interp_kern(%arg0: i32, %arg1: i32, %arg2: memref<1x3x64xf32, #tpu.memory_space<vmem>>, %arg3: memref<1x256x3xf32, #tpu.memory_space<vmem>>, %arg4: memref<1x64x256xf32, #tpu.memory_space<vmem>>, %arg5: memref<1x256x256xf32, #tpu.memory_space<vmem>>) attributes {dimension_semantics = [#tpu.dimension_semantics<arbitrary>, #tpu.dimension_semantics<arbitrary>], iteration_bounds = array<i64: 4, 1>, scalar_prefetch = 0 : i64, scratch_operands = 0 : i64, tpu.core_type = #tpu.core_type<tc>, window_params = [{transform_indices = @transform_0, window_bounds = array<i64: 1, 3, 64>}, {transform_indices = @transform_1, window_bounds = array<i64: 1, 256, 3>}, {transform_indices = @transform_2, window_bounds = array<i64: 1, 64, 256>}, {transform_indices = @transform_3, window_bounds = array<i64: 1, 256, 256>}]} {
    %get3A = arith.constant 0 : index
    %get3A_0 = arith.constant 0 : index
    %get3A_1 = arith.constant 0 : index
    %get3A_2 = vector.load %arg3[%get3A, %get3A_0, %get3A_1] : memref<1x256x3xf32, #tpu.memory_space<vmem>>, vector<1x256x1xf32>
    %get3A_3 = vector.shape_cast %get3A_2 : vector<1x256x1xf32> to vector<256x1xf32>
    %get3A_4 = arith.constant 0 : index
    %get3A_5 = arith.constant 0 : index
    %get3A_6 = arith.constant 0 : index
    %get3A_7 = vector.load %arg2[%get3A_4, %get3A_5, %get3A_6] : memref<1x3x64xf32, #tpu.memory_space<vmem>>, vector<1x1x64xf32>
    %get3A_8 = vector.shape_cast %get3A_7 : vector<1x1x64xf32> to vector<1x64xf32>
    %sub3A = vector.broadcast %get3A_3 : vector<256x1xf32> to vector<256x64xf32>
    %sub3A_9 = vector.broadcast %get3A_8 : vector<1x64xf32> to vector<256x64xf32>
    %sub3A_10 = arith.subf %sub3A, %sub3A_9 : vector<256x64xf32>
    %mul3A = arith.mulf %sub3A_10, %sub3A_10 : vector<256x64xf32>
    %get3A_11 = arith.constant 0 : index
    %get3A_12 = arith.constant 0 : index
    %get3A_13 = arith.constant 1 : index
    %get3A_14 = vector.load %arg3[%get3A_11, %get3A_12, %get3A_13] : memref<1x256x3xf32, #tpu.memory_space<vmem>>, vector<1x256x1xf32>
    %get3A_15 = vector.shape_cast %get3A_14 : vector<1x256x1xf32> to vector<256x1xf32>
    %get3A_16 = arith.constant 0 : index
    %get3A_17 = arith.constant 1 : index
    %get3A_18 = arith.constant 0 : index
    %get3A_19 = vector.load %arg2[%get3A_16, %get3A_17, %get3A_18] : memref<1x3x64xf32, #tpu.memory_space<vmem>>, vector<1x1x64xf32>
    %get3A_20 = vector.shape_cast %get3A_19 : vector<1x1x64xf32> to vector<1x64xf32>
    %sub3A_21 = vector.broadcast %get3A_15 : vector<256x1xf32> to vector<256x64xf32>
    %sub3A_22 = vector.broadcast %get3A_20 : vector<1x64xf32> to vector<256x64xf32>
    %sub3A_23 = arith.subf %sub3A_21, %sub3A_22 : vector<256x64xf32>
    %mul3A_24 = arith.mulf %sub3A_23, %sub3A_23 : vector<256x64xf32>
    %add3A = arith.addf %mul3A, %mul3A_24 : vector<256x64xf32>
    %get3A_25 = arith.constant 0 : index
    %get3A_26 = arith.constant 0 : index
    %get3A_27 = arith.constant 2 : index
    %get3A_28 = vector.load %arg3[%get3A_25, %get3A_26, %get3A_27] : memref<1x256x3xf32, #tpu.memory_space<vmem>>, vector<1x256x1xf32>
    %get3A_29 = vector.shape_cast %get3A_28 : vector<1x256x1xf32> to vector<256x1xf32>
    %get3A_30 = arith.constant 0 : index
    %get3A_31 = arith.constant 2 : index
    %get3A_32 = arith.constant 0 : index
    %get3A_33 = vector.load %arg2[%get3A_30, %get3A_31, %get3A_32] : memref<1x3x64xf32, #tpu.memory_space<vmem>>, vector<1x1x64xf32>
    %get3A_34 = vector.shape_cast %get3A_33 : vector<1x1x64xf32> to vector<1x64xf32>
    %sub3A_35 = vector.broadcast %get3A_29 : vector<256x1xf32> to vector<256x64xf32>
    %sub3A_36 = vector.broadcast %get3A_34 : vector<1x64xf32> to vector<256x64xf32>
    %sub3A_37 = arith.subf %sub3A_35, %sub3A_36 : vector<256x64xf32>
    %mul3A_38 = arith.mulf %sub3A_37, %sub3A_37 : vector<256x64xf32>
    %add3A_39 = arith.addf %add3A, %mul3A_38 : vector<256x64xf32>
    %iota3A = tpu.iota {dimensions = array<i32: 1>} : vector<256x64xi32>
    %reduce_min3A = arith.constant dense<0x7F800000> : vector<256xf32>
    %reduce_min3A_40 = vector.multi_reduction <minimumf>, %add3A_39, %reduce_min3A [1] : vector<256x64xf32> to vector<256xf32>
    %broadcast_in_dim3A = vector.shape_cast %reduce_min3A_40 : vector<256xf32> to vector<256x1xf32>
    %eq3A = vector.broadcast %broadcast_in_dim3A : vector<256x1xf32> to vector<256x64xf32>
    %eq3A_41 = arith.cmpf oeq, %add3A_39, %eq3A : vector<256x64xf32>
    %jit3A = arith.constant 64 : i32
    %broadcast_in_dim3A_42 = vector.broadcast %jit3A : i32 to vector<256x64xi32>
    %select_n3A = arith.select %eq3A_41, %iota3A, %broadcast_in_dim3A_42 : vector<256x64xi1>, vector<256x64xi32>
    %reduce_min3A_43 = arith.constant dense<2147483647> : vector<256xi32>
    %reduce_min3A_44 = vector.multi_reduction <minsi>, %select_n3A, %reduce_min3A_43 [1] : vector<256x64xi32> to vector<256xi32>
    %broadcast_in_dim3A_45 = vector.shape_cast %reduce_min3A_44 : vector<256xi32> to vector<256x1xi32>
    %eq3A_46 = vector.broadcast %broadcast_in_dim3A_45 : vector<256x1xi32> to vector<256x64xi32>
    %eq3A_47 = arith.cmpi eq, %iota3A, %eq3A_46 : vector<256x64xi32>
    %convert_element_type3A = arith.extui %eq3A_47 : vector<256x64xi1> to vector<256x64xi32>
    %convert_element_type3A_48 = arith.sitofp %convert_element_type3A : vector<256x64xi32> to vector<256x64xf32>
    %get3A_49 = arith.constant 0 : index
    %get3A_50 = arith.constant 0 : index
    %get3A_51 = arith.constant 0 : index
    %get3A_52 = vector.load %arg4[%get3A_49, %get3A_50, %get3A_51] : memref<1x64x256xf32, #tpu.memory_space<vmem>>, vector<1x64x256xf32>
    %get3A_53 = vector.shape_cast %get3A_52 : vector<1x64x256xf32> to vector<64x256xf32>
    %dot_general3A = arith.constant dense<0.000000e+00> : vector<256x256xf32>
    %dot_general3A_54 = tpu.matmul %convert_element_type3A_48, %get3A_53, %dot_general3A {dimension_numbers = #tpu.dot_dimension_numbers<[1], [0], [0], [1], [0, 0, 1, 1], [], []>, precision = #tpu.contract_precision<fp32>, transpose_lhs_hint = false} : vector<256x64xf32>, vector<64x256xf32>, vector<256x256xf32> -> vector<256x256xf32>
    %broadcast_in_dim3A_55 = vector.shape_cast %dot_general3A_54 : vector<256x256xf32> to vector<1x256x256xf32>
    %swap3A = arith.constant 0 : index
    %swap3A_56 = arith.constant 0 : index
    %swap3A_57 = arith.constant 0 : index
    %swap3A_58 = vector.load %arg5[%swap3A, %swap3A_56, %swap3A_57] : memref<1x256x256xf32, #tpu.memory_space<vmem>>, vector<1x256x256xf32>
    tpu.vector_store %arg5[%swap3A, %swap3A_56, %swap3A_57], %broadcast_in_dim3A_55 {strides = array<i32>} : memref<1x256x256xf32, #tpu.memory_space<vmem>>, vector<1x256x256xf32>,
    return
  }
  func.func @transform_0(%arg0: i32, %arg1: i32) -> (i32, i32, i32) {
    %c0_i32 = arith.constant 0 : i32
    %c0_i32_0 = arith.constant 0 : i32
    %c0_i32_1 = arith.constant 0 : i32
    return %arg0, %c0_i32, %c0_i32_0 : i32, i32, i32
  }
  func.func @transform_1(%arg0: i32, %arg1: i32) -> (i32, i32, i32) {
    %c0_i32 = arith.constant 0 : i32
    %c0_i32_0 = arith.constant 0 : i32
    return %arg0, %arg1, %c0_i32 : i32, i32, i32
  }
  func.func @transform_2(%arg0: i32, %arg1: i32) -> (i32, i32, i32) {
    %c0_i32 = arith.constant 0 : i32
    %c0_i32_0 = arith.constant 0 : i32
    %c0_i32_1 = arith.constant 0 : i32
    return %arg0, %c0_i32, %c0_i32_0 : i32, i32, i32
  }
  func.func @transform_3(%arg0: i32, %arg1: i32) -> (i32, i32, i32) {
    %c0_i32 = arith.constant 0 : i32
    %c0_i32_0 = arith.constant 0 : i32
    return %arg0, %arg1, %c0_i32 : i32, i32, i32
  }
}

module attributes {stable_mosaic.version = 14 : i64} {
  func.func @_interp_kern(%arg0: i32, %arg1: i32, %arg2: memref<1x3x256xf32, #tpu.memory_space<vmem>>, %arg3: memref<1x512x3xf32, #tpu.memory_space<vmem>>, %arg4: memref<1x256x128xf32, #tpu.memory_space<vmem>>, %arg5: memref<1x512x128xf32, #tpu.memory_space<vmem>>) attributes {dimension_semantics = [#tpu.dimension_semantics<arbitrary>, #tpu.dimension_semantics<arbitrary>], iteration_bounds = array<i64: 4, 2>, scalar_prefetch = 0 : i64, scratch_operands = 0 : i64, tpu.core_type = #tpu.core_type<tc>, window_params = [{transform_indices = @transform_0, window_bounds = array<i64: 1, 3, 256>}, {transform_indices = @transform_1, window_bounds = array<i64: 1, 512, 3>}, {transform_indices = @transform_2, window_bounds = array<i64: 1, 256, 128>}, {transform_indices = @transform_3, window_bounds = array<i64: 1, 512, 128>}]} {
    %get3A = arith.constant 0 : index
    %get3A_0 = arith.constant 0 : index
    %get3A_1 = arith.constant 0 : index
    %get3A_2 = vector.load %arg3[%get3A, %get3A_0, %get3A_1] : memref<1x512x3xf32, #tpu.memory_space<vmem>>, vector<1x512x1xf32>
    %get3A_3 = vector.shape_cast %get3A_2 : vector<1x512x1xf32> to vector<512x1xf32>
    %get3A_4 = arith.constant 0 : index
    %get3A_5 = arith.constant 0 : index
    %get3A_6 = arith.constant 0 : index
    %get3A_7 = vector.load %arg2[%get3A_4, %get3A_5, %get3A_6] : memref<1x3x256xf32, #tpu.memory_space<vmem>>, vector<1x1x256xf32>
    %get3A_8 = vector.shape_cast %get3A_7 : vector<1x1x256xf32> to vector<1x256xf32>
    %sub3A = vector.broadcast %get3A_3 : vector<512x1xf32> to vector<512x256xf32>
    %sub3A_9 = vector.broadcast %get3A_8 : vector<1x256xf32> to vector<512x256xf32>
    %sub3A_10 = arith.subf %sub3A, %sub3A_9 : vector<512x256xf32>
    %mul3A = arith.mulf %sub3A_10, %sub3A_10 : vector<512x256xf32>
    %get3A_11 = arith.constant 0 : index
    %get3A_12 = arith.constant 0 : index
    %get3A_13 = arith.constant 1 : index
    %get3A_14 = vector.load %arg3[%get3A_11, %get3A_12, %get3A_13] : memref<1x512x3xf32, #tpu.memory_space<vmem>>, vector<1x512x1xf32>
    %get3A_15 = vector.shape_cast %get3A_14 : vector<1x512x1xf32> to vector<512x1xf32>
    %get3A_16 = arith.constant 0 : index
    %get3A_17 = arith.constant 1 : index
    %get3A_18 = arith.constant 0 : index
    %get3A_19 = vector.load %arg2[%get3A_16, %get3A_17, %get3A_18] : memref<1x3x256xf32, #tpu.memory_space<vmem>>, vector<1x1x256xf32>
    %get3A_20 = vector.shape_cast %get3A_19 : vector<1x1x256xf32> to vector<1x256xf32>
    %sub3A_21 = vector.broadcast %get3A_15 : vector<512x1xf32> to vector<512x256xf32>
    %sub3A_22 = vector.broadcast %get3A_20 : vector<1x256xf32> to vector<512x256xf32>
    %sub3A_23 = arith.subf %sub3A_21, %sub3A_22 : vector<512x256xf32>
    %mul3A_24 = arith.mulf %sub3A_23, %sub3A_23 : vector<512x256xf32>
    %add3A = arith.addf %mul3A, %mul3A_24 : vector<512x256xf32>
    %get3A_25 = arith.constant 0 : index
    %get3A_26 = arith.constant 0 : index
    %get3A_27 = arith.constant 2 : index
    %get3A_28 = vector.load %arg3[%get3A_25, %get3A_26, %get3A_27] : memref<1x512x3xf32, #tpu.memory_space<vmem>>, vector<1x512x1xf32>
    %get3A_29 = vector.shape_cast %get3A_28 : vector<1x512x1xf32> to vector<512x1xf32>
    %get3A_30 = arith.constant 0 : index
    %get3A_31 = arith.constant 2 : index
    %get3A_32 = arith.constant 0 : index
    %get3A_33 = vector.load %arg2[%get3A_30, %get3A_31, %get3A_32] : memref<1x3x256xf32, #tpu.memory_space<vmem>>, vector<1x1x256xf32>
    %get3A_34 = vector.shape_cast %get3A_33 : vector<1x1x256xf32> to vector<1x256xf32>
    %sub3A_35 = vector.broadcast %get3A_29 : vector<512x1xf32> to vector<512x256xf32>
    %sub3A_36 = vector.broadcast %get3A_34 : vector<1x256xf32> to vector<512x256xf32>
    %sub3A_37 = arith.subf %sub3A_35, %sub3A_36 : vector<512x256xf32>
    %mul3A_38 = arith.mulf %sub3A_37, %sub3A_37 : vector<512x256xf32>
    %add3A_39 = arith.addf %add3A, %mul3A_38 : vector<512x256xf32>
    %iota3A = tpu.iota {dimensions = array<i32: 1>} : vector<512x256xi32>
    %reduce_min3A = arith.constant dense<0x7F800000> : vector<512xf32>
    %reduce_min3A_40 = vector.multi_reduction <minimumf>, %add3A_39, %reduce_min3A [1] : vector<512x256xf32> to vector<512xf32>
    %broadcast_in_dim3A = vector.shape_cast %reduce_min3A_40 : vector<512xf32> to vector<512x1xf32>
    %eq3A = vector.broadcast %broadcast_in_dim3A : vector<512x1xf32> to vector<512x256xf32>
    %eq3A_41 = arith.cmpf oeq, %add3A_39, %eq3A : vector<512x256xf32>
    %jit3A = arith.constant 256 : i32
    %broadcast_in_dim3A_42 = vector.broadcast %jit3A : i32 to vector<512x256xi32>
    %select_n3A = arith.select %eq3A_41, %iota3A, %broadcast_in_dim3A_42 : vector<512x256xi1>, vector<512x256xi32>
    %reduce_min3A_43 = arith.constant dense<2147483647> : vector<512xi32>
    %reduce_min3A_44 = vector.multi_reduction <minsi>, %select_n3A, %reduce_min3A_43 [1] : vector<512x256xi32> to vector<512xi32>
    %broadcast_in_dim3A_45 = vector.shape_cast %reduce_min3A_44 : vector<512xi32> to vector<512x1xi32>
    %eq3A_46 = vector.broadcast %broadcast_in_dim3A_45 : vector<512x1xi32> to vector<512x256xi32>
    %eq3A_47 = arith.cmpi eq, %iota3A, %eq3A_46 : vector<512x256xi32>
    %convert_element_type3A = arith.extui %eq3A_47 : vector<512x256xi1> to vector<512x256xi32>
    %convert_element_type3A_48 = arith.sitofp %convert_element_type3A : vector<512x256xi32> to vector<512x256xf32>
    %get3A_49 = arith.constant 0 : index
    %get3A_50 = arith.constant 0 : index
    %get3A_51 = arith.constant 0 : index
    %get3A_52 = vector.load %arg4[%get3A_49, %get3A_50, %get3A_51] : memref<1x256x128xf32, #tpu.memory_space<vmem>>, vector<1x256x128xf32>
    %get3A_53 = vector.shape_cast %get3A_52 : vector<1x256x128xf32> to vector<256x128xf32>
    %dot_general3A = arith.constant dense<0.000000e+00> : vector<512x128xf32>
    %dot_general3A_54 = tpu.matmul %convert_element_type3A_48, %get3A_53, %dot_general3A {dimension_numbers = #tpu.dot_dimension_numbers<[1], [0], [0], [1], [0, 0, 1, 1], [], []>, precision = #tpu.contract_precision<fp32>, transpose_lhs_hint = false} : vector<512x256xf32>, vector<256x128xf32>, vector<512x128xf32> -> vector<512x128xf32>
    %broadcast_in_dim3A_55 = vector.shape_cast %dot_general3A_54 : vector<512x128xf32> to vector<1x512x128xf32>
    %swap3A = arith.constant 0 : index
    %swap3A_56 = arith.constant 0 : index
    %swap3A_57 = arith.constant 0 : index
    %swap3A_58 = vector.load %arg5[%swap3A, %swap3A_56, %swap3A_57] : memref<1x512x128xf32, #tpu.memory_space<vmem>>, vector<1x512x128xf32>
    tpu.vector_store %arg5[%swap3A, %swap3A_56, %swap3A_57], %broadcast_in_dim3A_55 {strides = array<i32>} : memref<1x512x128xf32, #tpu.memory_space<vmem>>, vector<1x512x128xf32>,
    return
  }
  func.func @transform_0(%arg0: i32, %arg1: i32) -> (i32, i32, i32) {
    %c0_i32 = arith.constant 0 : i32
    %c0_i32_0 = arith.constant 0 : i32
    %c0_i32_1 = arith.constant 0 : i32
    return %arg0, %c0_i32, %c0_i32_0 : i32, i32, i32
  }
  func.func @transform_1(%arg0: i32, %arg1: i32) -> (i32, i32, i32) {
    %c0_i32 = arith.constant 0 : i32
    %c0_i32_0 = arith.constant 0 : i32
    return %arg0, %arg1, %c0_i32 : i32, i32, i32
  }
  func.func @transform_2(%arg0: i32, %arg1: i32) -> (i32, i32, i32) {
    %c0_i32 = arith.constant 0 : i32
    %c0_i32_0 = arith.constant 0 : i32
    %c0_i32_1 = arith.constant 0 : i32
    return %arg0, %c0_i32, %c0_i32_0 : i32, i32, i32
  }
  func.func @transform_3(%arg0: i32, %arg1: i32) -> (i32, i32, i32) {
    %c0_i32 = arith.constant 0 : i32
    %c0_i32_0 = arith.constant 0 : i32
    return %arg0, %arg1, %c0_i32 : i32, i32, i32
  }
}

module attributes {stable_mosaic.version = 14 : i64} {
  func.func @_interp_kern(%arg0: i32, %arg1: i32, %arg2: memref<1x3x1024xf32, #tpu.memory_space<vmem>>, %arg3: memref<1x512x3xf32, #tpu.memory_space<vmem>>, %arg4: memref<1x1024x32xf32, #tpu.memory_space<vmem>>, %arg5: memref<1x512x32xf32, #tpu.memory_space<vmem>>) attributes {dimension_semantics = [#tpu.dimension_semantics<arbitrary>, #tpu.dimension_semantics<arbitrary>], iteration_bounds = array<i64: 4, 8>, scalar_prefetch = 0 : i64, scratch_operands = 0 : i64, tpu.core_type = #tpu.core_type<tc>, window_params = [{transform_indices = @transform_0, window_bounds = array<i64: 1, 3, 1024>}, {transform_indices = @transform_1, window_bounds = array<i64: 1, 512, 3>}, {transform_indices = @transform_2, window_bounds = array<i64: 1, 1024, 32>}, {transform_indices = @transform_3, window_bounds = array<i64: 1, 512, 32>}]} {
    %get3A = arith.constant 0 : index
    %get3A_0 = arith.constant 0 : index
    %get3A_1 = arith.constant 0 : index
    %get3A_2 = vector.load %arg3[%get3A, %get3A_0, %get3A_1] : memref<1x512x3xf32, #tpu.memory_space<vmem>>, vector<1x512x1xf32>
    %get3A_3 = vector.shape_cast %get3A_2 : vector<1x512x1xf32> to vector<512x1xf32>
    %get3A_4 = arith.constant 0 : index
    %get3A_5 = arith.constant 0 : index
    %get3A_6 = arith.constant 0 : index
    %get3A_7 = vector.load %arg2[%get3A_4, %get3A_5, %get3A_6] : memref<1x3x1024xf32, #tpu.memory_space<vmem>>, vector<1x1x1024xf32>
    %get3A_8 = vector.shape_cast %get3A_7 : vector<1x1x1024xf32> to vector<1x1024xf32>
    %sub3A = vector.broadcast %get3A_3 : vector<512x1xf32> to vector<512x1024xf32>
    %sub3A_9 = vector.broadcast %get3A_8 : vector<1x1024xf32> to vector<512x1024xf32>
    %sub3A_10 = arith.subf %sub3A, %sub3A_9 : vector<512x1024xf32>
    %mul3A = arith.mulf %sub3A_10, %sub3A_10 : vector<512x1024xf32>
    %get3A_11 = arith.constant 0 : index
    %get3A_12 = arith.constant 0 : index
    %get3A_13 = arith.constant 1 : index
    %get3A_14 = vector.load %arg3[%get3A_11, %get3A_12, %get3A_13] : memref<1x512x3xf32, #tpu.memory_space<vmem>>, vector<1x512x1xf32>
    %get3A_15 = vector.shape_cast %get3A_14 : vector<1x512x1xf32> to vector<512x1xf32>
    %get3A_16 = arith.constant 0 : index
    %get3A_17 = arith.constant 1 : index
    %get3A_18 = arith.constant 0 : index
    %get3A_19 = vector.load %arg2[%get3A_16, %get3A_17, %get3A_18] : memref<1x3x1024xf32, #tpu.memory_space<vmem>>, vector<1x1x1024xf32>
    %get3A_20 = vector.shape_cast %get3A_19 : vector<1x1x1024xf32> to vector<1x1024xf32>
    %sub3A_21 = vector.broadcast %get3A_15 : vector<512x1xf32> to vector<512x1024xf32>
    %sub3A_22 = vector.broadcast %get3A_20 : vector<1x1024xf32> to vector<512x1024xf32>
    %sub3A_23 = arith.subf %sub3A_21, %sub3A_22 : vector<512x1024xf32>
    %mul3A_24 = arith.mulf %sub3A_23, %sub3A_23 : vector<512x1024xf32>
    %add3A = arith.addf %mul3A, %mul3A_24 : vector<512x1024xf32>
    %get3A_25 = arith.constant 0 : index
    %get3A_26 = arith.constant 0 : index
    %get3A_27 = arith.constant 2 : index
    %get3A_28 = vector.load %arg3[%get3A_25, %get3A_26, %get3A_27] : memref<1x512x3xf32, #tpu.memory_space<vmem>>, vector<1x512x1xf32>
    %get3A_29 = vector.shape_cast %get3A_28 : vector<1x512x1xf32> to vector<512x1xf32>
    %get3A_30 = arith.constant 0 : index
    %get3A_31 = arith.constant 2 : index
    %get3A_32 = arith.constant 0 : index
    %get3A_33 = vector.load %arg2[%get3A_30, %get3A_31, %get3A_32] : memref<1x3x1024xf32, #tpu.memory_space<vmem>>, vector<1x1x1024xf32>
    %get3A_34 = vector.shape_cast %get3A_33 : vector<1x1x1024xf32> to vector<1x1024xf32>
    %sub3A_35 = vector.broadcast %get3A_29 : vector<512x1xf32> to vector<512x1024xf32>
    %sub3A_36 = vector.broadcast %get3A_34 : vector<1x1024xf32> to vector<512x1024xf32>
    %sub3A_37 = arith.subf %sub3A_35, %sub3A_36 : vector<512x1024xf32>
    %mul3A_38 = arith.mulf %sub3A_37, %sub3A_37 : vector<512x1024xf32>
    %add3A_39 = arith.addf %add3A, %mul3A_38 : vector<512x1024xf32>
    %iota3A = tpu.iota {dimensions = array<i32: 1>} : vector<512x1024xi32>
    %reduce_min3A = arith.constant dense<0x7F800000> : vector<512xf32>
    %reduce_min3A_40 = vector.multi_reduction <minimumf>, %add3A_39, %reduce_min3A [1] : vector<512x1024xf32> to vector<512xf32>
    %broadcast_in_dim3A = vector.shape_cast %reduce_min3A_40 : vector<512xf32> to vector<512x1xf32>
    %eq3A = vector.broadcast %broadcast_in_dim3A : vector<512x1xf32> to vector<512x1024xf32>
    %eq3A_41 = arith.cmpf oeq, %add3A_39, %eq3A : vector<512x1024xf32>
    %jit3A = arith.constant 1024 : i32
    %broadcast_in_dim3A_42 = vector.broadcast %jit3A : i32 to vector<512x1024xi32>
    %select_n3A = arith.select %eq3A_41, %iota3A, %broadcast_in_dim3A_42 : vector<512x1024xi1>, vector<512x1024xi32>
    %reduce_min3A_43 = arith.constant dense<2147483647> : vector<512xi32>
    %reduce_min3A_44 = vector.multi_reduction <minsi>, %select_n3A, %reduce_min3A_43 [1] : vector<512x1024xi32> to vector<512xi32>
    %broadcast_in_dim3A_45 = vector.shape_cast %reduce_min3A_44 : vector<512xi32> to vector<512x1xi32>
    %eq3A_46 = vector.broadcast %broadcast_in_dim3A_45 : vector<512x1xi32> to vector<512x1024xi32>
    %eq3A_47 = arith.cmpi eq, %iota3A, %eq3A_46 : vector<512x1024xi32>
    %convert_element_type3A = arith.extui %eq3A_47 : vector<512x1024xi1> to vector<512x1024xi32>
    %convert_element_type3A_48 = arith.sitofp %convert_element_type3A : vector<512x1024xi32> to vector<512x1024xf32>
    %get3A_49 = arith.constant 0 : index
    %get3A_50 = arith.constant 0 : index
    %get3A_51 = arith.constant 0 : index
    %get3A_52 = vector.load %arg4[%get3A_49, %get3A_50, %get3A_51] : memref<1x1024x32xf32, #tpu.memory_space<vmem>>, vector<1x1024x32xf32>
    %get3A_53 = vector.shape_cast %get3A_52 : vector<1x1024x32xf32> to vector<1024x32xf32>
    %dot_general3A = arith.constant dense<0.000000e+00> : vector<512x32xf32>
    %dot_general3A_54 = tpu.matmul %convert_element_type3A_48, %get3A_53, %dot_general3A {dimension_numbers = #tpu.dot_dimension_numbers<[1], [0], [0], [1], [0, 0, 1, 1], [], []>, precision = #tpu.contract_precision<fp32>, transpose_lhs_hint = false} : vector<512x1024xf32>, vector<1024x32xf32>, vector<512x32xf32> -> vector<512x32xf32>
    %broadcast_in_dim3A_55 = vector.shape_cast %dot_general3A_54 : vector<512x32xf32> to vector<1x512x32xf32>
    %swap3A = arith.constant 0 : index
    %swap3A_56 = arith.constant 0 : index
    %swap3A_57 = arith.constant 0 : index
    %swap3A_58 = vector.load %arg5[%swap3A, %swap3A_56, %swap3A_57] : memref<1x512x32xf32, #tpu.memory_space<vmem>>, vector<1x512x32xf32>
    tpu.vector_store %arg5[%swap3A, %swap3A_56, %swap3A_57], %broadcast_in_dim3A_55 {strides = array<i32>} : memref<1x512x32xf32, #tpu.memory_space<vmem>>, vector<1x512x32xf32>,
    return
  }
  func.func @transform_0(%arg0: i32, %arg1: i32) -> (i32, i32, i32) {
    %c0_i32 = arith.constant 0 : i32
    %c0_i32_0 = arith.constant 0 : i32
    %c0_i32_1 = arith.constant 0 : i32
    return %arg0, %c0_i32, %c0_i32_0 : i32, i32, i32
  }
  func.func @transform_1(%arg0: i32, %arg1: i32) -> (i32, i32, i32) {
    %c0_i32 = arith.constant 0 : i32
    %c0_i32_0 = arith.constant 0 : i32
    return %arg0, %arg1, %c0_i32 : i32, i32, i32
  }
  func.func @transform_2(%arg0: i32, %arg1: i32) -> (i32, i32, i32) {
    %c0_i32 = arith.constant 0 : i32
    %c0_i32_0 = arith.constant 0 : i32
    %c0_i32_1 = arith.constant 0 : i32
    return %arg0, %c0_i32, %c0_i32_0 : i32, i32, i32
  }
  func.func @transform_3(%arg0: i32, %arg1: i32) -> (i32, i32, i32) {
    %c0_i32 = arith.constant 0 : i32
    %c0_i32_0 = arith.constant 0 : i32
    return %arg0, %arg1, %c0_i32 : i32, i32, i32
  }
}

</mosaic_0001>

<sc_bundles>
// kernel: gather_offload_async_start
scs
__scs_entry_jumppad:
0x0: {  	(pc) =	sbr.rel $0x88, $3  }
0x1: {  	(tag) =	ssettag $0x0;
	lr =	simm.s32 $0x1  }
0x2: {  	[smem:$0x3F07] =	sst lr;
	_ =	strace $0xD0000000  }
0x3: {  	_ = 	snop  }
0x4: {  	_ = 	snop  }
0x5: {  	_ = 	snop  }
0x6: {  	_ = 	snop  }
0x7: {  	_ = 	snop  }
__scs_overlays_trampoline_lowered:
0x8: {  	[smem:$0x3F16] =	sst s0  }
0x9: {  	[smem:$0x3F17] =	sst s1  }
0xa: {  	[smem:$0x3F18] =	sst s2  }
0xb: {  	[smem:$0x3F19] =	sst s3  }
0xc: {  	[smem:$0x3F1A] =	sst s4  }
0xd: {  	[smem:$0x3F1B] =	sst s5  }
0xe: {  	[smem:$0x3F1C] =	sst s6  }
0xf: {  	[smem:$0x3F1D] =	sst s7  }
0x10: {  	[smem:$0x3F1E] =	sst s8  }
0x11: {  	[smem:$0x3F1F] =	sst s9;
	s0 =	simm.s32 @!p0 $0x0  }
0x12: {  	s1 =	sld [smem:$0x3F05];
	s0 =	simm.s32 @p0 $0x1  }
0x13: {  	[smem:$0x3F20] =	sst s0;
	s0 =	simm.s32 @!p1 $0x0  }
0x14: {  	s2 =	sld [smem:$0x3F04];
	s0 =	simm.s32 @p1 $0x1  }
0x15: {  	[smem:$0x3F21] =	sst s0;
	s0 =	simm.s32 @!p2 $0x0  }
0x16: {  	s3 =	sld [smem:$0x3FDB];
	s0 =	simm.s32 @p2 $0x1  }
0x17: {  	s4 =	simm.s32 $0x1BF5;
	[smem:$0x3F23] =	sst s0  }
0x18: {  	s0 =	sld [smem:$0x3F06];
	_ =	swait.ge [sflag:s4], $0x0  }
0x19: {  	s7 =	sld [smem:$0x3F07]  }
0x1a: {  	s8 =	sadd.s32 $0xFFFFE003, lr  }
0x1b: {  	s9 =	sadd.s32 $0xFFFFFEF7, lr;
	s5 =	simm.s32 $0xFFFFFFFF;
	p2 =	slt.u32 s8, $0xFFFFF086  }
0x1c: {  	p1 =	slt.u32 s9, $0xF7A;
	s5 =	simm.s32 @!p2 $0x0  }
0x1d: {  	s5 =	simm.s32 @p1 $0x1;
	p0 =	seq.s32 s7, s2  }
0x1e: {  	s7 =	smul.u32 @!p0 $0xF7A, s2;
	p2 =	seq.s32 @!p0 s5, $0x0  }
0x1f: {  	s9 =	smul.u32 $0xF7A, s1;
	s8 =	simm.s32 @!p0 $0x1BF5;
	p2 =	por !p2, p0  }
0x20: {  	[sflag:s8] =	ssyncset.s32 @!p0 $0xFFFFF086;
	s6 =	sadd.s32 @!p0 s3, s7;
	s7 =	simm.s32 @!p0 $0x108  }
0x21: {  	s3 =	sadd.s32 s3, s9;
	s6 =	sadd.s32 @!p0 $0x88, s6;
	s7 =	simm.s32 @p2 $0x1082  }
0x22: {  	[simem:s7], [sflag:s8] =	dma.local @!p0 [hbm:s6], $0xF7A  }
0x23: {  	s9 =	sor.u32 $0xD0000000, s2;
	s6 =	simm.s32 $0x108;
	_ =	swait.ge @!p0 [sflag:s8], $0x0  }
0x24: {  	s3 =	sadd.s32 $0x88, s3;
	s6 =	simm.s32 @!p1 $0x1082;
	[sflag:s4] =	ssyncset.s32 $0xFFFFF086  }
0x25: {  	[simem:s6], [sflag:s4] =	dma.local [hbm:s3], $0xF7A  }
0x26: {  	[smem:$0x3F07] =	sst s1;
	(tag) =	ssettag s2;
	_ =	strace s9  }
0x27: {  	s1 =	sld [smem:$0x3F17]  }
0x28: {  	s2 =	sld [smem:$0x3F18]  }
0x29: {  	s4 =	sld [smem:$0x3F1A]  }
0x2a: {  	p0 =	seq.s32 s5, $0x0;
	s5 =	sld [smem:$0x3F1B]  }
0x2b: {  	s6 =	sld [smem:$0x3F1C]  }
0x2c: {  	s7 =	sld [smem:$0x3F1D]  }
0x2d: {  	s3 =	simm.s32 $0x108;
	s8 =	sld [smem:$0x3F1E]  }
0x2e: {  	s3 =	simm.s32 @!p0 $0x1082;
	s9 =	sld [smem:$0x3F1F]  }
0x2f: {  	lr =	sadd.s32 s0, s3;
	s0 =	sld [smem:$0x3F16]  }
0x30: {  	s3 =	sld [smem:$0x3F19]  }
0x31: {  	[smem:$0x3F22] =	sst s10  }
0x32: {  	s10 =	sld [smem:$0x3F20];
	_ =	sdelay $0x3  }
0x33: {  	p0 =	seq.s32 s10, $0x1;
	s10 =	sld [smem:$0x3F22];
	_ =	sdelay $0x3  }
0x34: {  	[smem:$0x3F22] =	sst s10  }
0x35: {  	s10 =	sld [smem:$0x3F21];
	_ =	sdelay $0x3  }
0x36: {  	p1 =	seq.s32 s10, $0x1;
	s10 =	sld [smem:$0x3F22];
	_ =	sdelay $0x3  }
0x37: {  	[smem:$0x3F22] =	sst s10  }
0x38: {  	s10 =	sld [smem:$0x3F23]  }
0x39: {  	_ = 	snop;
	(pc) =	sbr.ind lr, $3  }
0x3a: {  	_ = 	snop  }
0x3b: {  	_ = 	snop  }
0x3c: {  	p2 =	seq.s32 s10, $0x1;
	s10 =	sld [smem:$0x3F22]  }
0x3d: {  	_ =	shalt  }
0x3e: {  	_ =	shalt  }
0x3f: {  	_ =	shalt  }
0x40: {  	_ =	shalt  }
0x41: {  	_ =	shalt  }
0x42: {  	_ =	shalt  }
0x43: {  	_ =	shalt  }
0x44: {  	_ =	shalt  }
0x45: {  	_ =	shalt  }
0x46: {  	_ =	shalt  }
0x47: {  	_ =	shalt  }
0x48: {  	_ =	shalt  }
0x49: {  	_ =	shalt  }
0x4a: {  	_ =	shalt  }
0x4b: {  	_ =	shalt  }
0x4c: {  	_ =	shalt  }
0x4d: {  	_ =	shalt  }
0x4e: {  	_ =	shalt  }
0x4f: {  	_ =	shalt  }
0x50: {  	_ =	shalt  }
0x51: {  	_ =	shalt  }
0x52: {  	_ =	shalt  }
0x53: {  	_ =	shalt  }
0x54: {  	_ =	shalt  }
0x55: {  	_ =	shalt  }
0x56: {  	_ =	shalt  }
0x57: {  	_ =	shalt  }
0x58: {  	_ =	shalt  }
0x59: {  	_ =	shalt  }
0x5a: {  	_ =	shalt  }
0x5b: {  	_ =	shalt  }
0x5c: {  	_ =	shalt  }
0x5d: {  	_ =	shalt  }
0x5e: {  	_ =	shalt  }
0x5f: {  	_ =	shalt  }
0x60: {  	_ =	shalt  }
0x61: {  	_ =	shalt  }
0x62: {  	_ =	shalt  }
0x63: {  	_ =	shalt  }
0x64: {  	_ =	shalt  }
0x65: {  	_ =	shalt  }
0x66: {  	_ =	shalt  }
0x67: {  	_ =	shalt  }
0x68: {  	_ =	shalt  }
0x69: {  	_ =	shalt  }
0x6a: {  	_ =	shalt  }
0x6b: {  	_ =	shalt  }
0x6c: {  	_ =	shalt  }
0x6d: {  	_ =	shalt  }
0x6e: {  	_ =	shalt  }
0x6f: {  	_ =	shalt  }
0x70: {  	_ =	shalt  }
0x71: {  	_ =	shalt  }
0x72: {  	_ =	shalt  }
0x73: {  	_ =	shalt  }
0x74: {  	_ =	shalt  }
0x75: {  	_ =	shalt  }
0x76: {  	_ =	shalt  }
0x77: {  	_ =	shalt  }
0x78: {  	_ =	shalt  }
0x79: {  	_ =	shalt  }
0x7a: {  	_ =	shalt  }
0x7b: {  	_ =	shalt  }
0x7c: {  	_ =	shalt  }
0x7d: {  	_ =	shalt  }
0x7e: {  	_ =	shalt  }
0x7f: {  	_ =	shalt  }
0x80: {  	_ =	shalt  }
0x81: {  	_ =	shalt  }
0x82: {  	_ =	shalt  }
0x83: {  	_ =	shalt  }
0x84: {  	_ =	shalt  }
0x85: {  	_ =	shalt  }
0x86: {  	_ =	shalt  }
0x87: {  	_ =	shalt  }
.Lfunc_end0:
.L_simem_size_0:
called_computation_lowered:
.L_overlay_start_0:
0x88: {  	s2 =	sld [smem:$0x3FD9]  }
0x89: {  	s3 =	sld [smem:$0x3FFE];
	_ =	sdelay $0x1  }
0x8a: {  	s1 =	srdreg.scid  }
0x8b: {  	s0 =	sand.u32 $0x1, s1  }
0x8c: {  	s16 =	sshll.u32 s0, $0xA;
	s2 =	sadd.s32 s3, s2  }
0x8d: {  	s2 =	sadd.s32 s2, s16  }
0x8e: {  	[smem:$0x3F2E] =	sst s2  }
0x8f: {  	_ = 	snop  }
0x90: {  	(tm) =	ssettm $0x1  }
0x91: {  	s17 =	sld [smem:$0x3FFB];
	_ =	sdelay $0x3  }
0x92: {  	_ =	strace s17  }
0x93: {  	s2 =	sld [smem:$0x3FFC];
	_ =	sdelay $0x3  }
0x94: {  	_ =	strace s2  }
0x95: {  	s2 =	sld [smem:$0x3FFD];
	_ =	sdelay $0x3  }
0x96: {  	_ =	strace s2  }
0x97: {  	_ =	strace $0x8FFFFFFF  }
0x98: {  	s18 =	sld [smem:$0x3FDB];
	_ =	sdelay $0x1  }
0x99: {  	s19 =	simm.s32 $_scs_section_size  }
0x9a: {  	s4 =	simm.s32 $_size__tile_overlayer_lowered;
	s5 =	simm.s32 $_tile_overlayer_lowered  }
0x9b: {  	s22 =	simm.s32 $0x1BFF;
	s21 =	sshll.u32 s5, $0x1;
	s2 =	sadd.s32 s19, s18  }
0x9c: {  	s6 =	simm.s32 $0x0;
	s20 =	sshll.u32 s4, $0x1;
	s4 =	sadd.s32 s21, s2  }
0x9d: {  	[timem:s6], [sflag:s22] =	dma.local [hbm:s4], s20  }
0x9e: {  	_ =	swait.ge [sflag:s22], s20  }
0x9f: {  	s3 =	ssub.s32 $0x0, s20;
	[sflag:s22] =	ssyncset.done $0x0  }
0xa0: {  	[sflag:s22] =	ssyncadd.s32 s3;
	_ =	sdelay $0x1  }
0xa1: {  	s23 =	simm.s32 $0x1B8B  }
0xa2: {  	_ =	swait.ge [sflag:s23], $0x1  }
0xa3: {  	[sflag:s23] =	ssyncset.done $0x0  }
0xa4: {  	s25 =	simm.s32 $0x1B8E;
	s24 =	sld [smem:$0x3FFE];
	[sflag:s23] =	ssyncadd.s32 $0xFFFFFFFF  }
0xa5: {  	s26 =	simm.s32 $execute0_lowered;
	[smem:$0x3FD2] =	sst s25  }
0xa6: {  	s4 =	sshll.u32 s26, $0x1;
	_ =	strace $0x80000046;
	[dreg:$0x1] =	wrdreg $0xFFFFFFFF  }
0xa7: {  	s28 =	simm.s32 $_size_execute0_lowered;
	s2 =	sadd.s32 s2, s4;
	[dreg:$0x0] =	wrdreg $0x0  }
0xa8: {  	s4 =	sshll.u32 s28, $0x1;
	[dreg:$0x2] =	wrdreg s2  }
0xa9: {  	[dreg:$0x3] =	wrdreg s4  }
0xaa: {  	[dreg:$0x4] =	wrdreg $0xC0  }
0xab: {  	_ =	task [dreg:s6], $0x5FFFF  }
0xac: {  	[dreg:$0x1] =	wrdreg $0xFFFFFFFF  }
0xad: {  	[dreg:$0x0] =	wrdreg $0x60  }
0xae: {  	[dreg:$0x2] =	wrdreg s24  }
0xaf: {  	[dreg:$0x3] =	wrdreg $0x9  }
0xb0: {  	_ =	task.clear_ibuf [dreg:s6], $0x4FFFF;
	_ =	strace $0x90000046  }
0xb1: {  	s29 =	simm.s32 $0x9;
	_ =	strace $0x80000048  }
0xb2: {  	_ =	swait.ge [sflag:s29], $0x1  }
0xb3: {  	[sflag:s29] =	ssyncadd.s32 $0xFFFFFFFF  }
0xb4: {  	_ =	strace $0x90000048  }
0xb5: {  	_ =	sfence  }
0xb6: {  	s30 =	sld [smem:$0x0];
	_ =	sdelay $0x2  }
0xb7: {  	s31 =	sshll.u32 s1, $0xD;
	s1 =	sshrl.u32 s1, $0x2  }
0xb8: {  	s3 =	sand.u32 $0x4000, s31;
	s1 =	sadd.s32 s1, s30  }
0xb9: {  	s0 =	sor.u32 s3, s0;
	s1 =	sshll.u32 s1, $0x11  }
0xba: {  	s0 =	sor.u32 s1, s0  }
0xbb: {  	s0 =	sadd.s32 $0x8F2B, s0  }
0xbc: {  	[sflag:s0] =	ssyncadd.remote.s32 $0x1  }
0xbd: {  	_ =	sfence.sel $0xFFFF  }
0xbe: {  	[dreg:$0x0] =	wrdreg $0xFFFFFFFF;
	(pc) =	sbr.abs _section_cstart, $3  }
0xbf: {  	[dreg:$0x1] =	wrdreg $0xFFFFFFFF  }
0xc0: {  	_ =	task.clear_ibuf [dreg:s6], $0x2FFFF;
	_ =	strace $0x9FFFFFFF  }
0xc1: {  	(tm) =	ssettm $0x7FFFFFFF  }
tec
execute0_lowered:
.L_overlay_start_1:
0x0: {  	(tag) =	ssettag $0x1  }
0x1: {  	s2 =	rddreg [dreg:$0x0]  }
0x2: {  	s0 =	rddreg [dreg:$0x1]  }
0x3: {  	s1 =	srdreg.scid;
	_ =	strace $0x80000047;
	s4 =	simm.s32 $0x1  }
0x4: {  	s9 =	simm.s32 $0x3;
	s12 =	simm.s32 $0x0;
	s5 =	sshll.u32 s1, $0x4  }
.Ltmp0:
0x5: {  	s1 =	stileid.u32;
	s5 =	sand.u32 $0x10, s5;
	(pc) =	sbr.rel .LBB2_1-.Ltmp0, $4  }
0x6: {  	s10 =	simm.s32 $0x0;
	s3 =	sadd.s32 $0x2600, s2;
	s6 =	sor.u32 s1, s5  }
0x7: {  	[sflag:s4] =	ssyncpa.u1 $0x0;
	s5 =	simm.s32 $0x2;
	s6 =	sshll.u32 s6, $0x7  }
0x8: {  	s7 =	sadd.s32 $0x5A800, s2;
	[sflag:s5] =	ssyncpa.u1 $0x0;
	s8 =	sadd.s32 $0x80, s6  }
0x9: {  	vm0 =	vmmov $0xff;
	vm1 =	vcmask $0x3F20;
	[sflag:s9] =	ssyncpa.u1 $0x0;
	s9 =	simm.s32 $0x80;
	s11 =	smov.u32 s6  }
.LBB2_9:
0xa: {  	p0 =	seq.s32 s10, $0x2  }
.Ltmp1:
0xb: {  	_ = 	snop;
	(pc) =	sbr.rel @p0 .LBB2_11-.Ltmp1, $1  }
0xc: {  	_ =	sdelay $0x3  }
.LBB2_10:
0xd: {  	s12 =	sadd.s32 $0x80, s11  }
0xe: {  	s13 =	smov.u32 s6;
	p0 =	slt.s32 s12, s8  }
0xf: {  	s13 =	smov.u32 @p0 s12  }
0x10: {  	s10 =	sadd.s32 $0x1, s10;
	s12 =	smov.u32 s11;
	s11 =	smov.u32 s13  }
.LBB2_1:
0x11: {  	p0 =	sne.s32 s10, $0x0  }
.Ltmp2:
0x12: {  	_ = 	snop;
	(pc) =	sbr.rel @!p0 .LBB2_2-.Ltmp2, $1  }
0x13: {  	_ =	sdelay $0x3  }
0x14: {  	s13 =	sand.u32 $0x1, s10  }
0x15: {  	p0 =	seq.s32 s13, $0x0  }
.Ltmp3:
0x16: {  	_ = 	snop;
	(pc) =	sbr.rel @p0 .LBB2_9-.Ltmp3, $1  }
0x17: {  	_ =	sdelay $0x3  }
0x18: {  	_ =	swait.ge [sflag:s5], $0x80  }
0x19: {  	[sflag:s5] =	ssyncset.done $0x0  }
0x1a: {  	s13 =	simm.s32 $0x0;
	[sflag:s5] =	ssyncadd.s32 $0xFFFFFF80  }
0x1b: {  	v0 =	vld.msk [tilespmem:s13+$0x80 ss:$0x1], $0xffff;
	_ =	sdelay $0x4  }
0x1c: {  	vm2 =	vgt.s32 v0, $0x0  }
0x1d: {  	v0 =	vnsel vm2, $0x0, v0  }
0x1e: {  	v0 =	vmin.u32 v0, $0x3FFF  }
0x1f: {  	v0 =	vshll.u32 v0, $0x4;
	_ =	sdelay $0x3  }
0x20: {  	s13 =	simm.s32 $0x4100  }
0x21: {  	[tilespmem:s13], [sflag:$0x1] =	stream.indirect_vreg.gather [hbm:s3], $0x80, v0, vm0, $0x38;
	[tilespmem:$0x8100] =	vst v63  }
0x22: {  	s14 =	simm.s32 $0x4500;
	s31 =	simm.s32 $0x10  }
0x23: {  	[tilespmem:s14], [sflag:$0x1] =	stream.indirect_vreg.gather [hbm:s3], $0x80, v0, vm1, $0x38;
	[tilespmem:$0x8100] =	vst v63  }
0x24: {  	s14 =	simm.s32 $0x80;
	v0 =	vld.msk [tilespmem:s31+$0x80 ss:$0x1], $0xffff  }
.LBB2_5:
0x25: {  	p0 =	sne.s32 s14, $0x1C0;
	_ =	sdelay $0x4  }
0x26: {  	vm2 =	vgt.s32 v0, $0x0  }
0x27: {  	v0 =	vnsel vm2, $0x0, v0  }
0x28: {  	v0 =	vmin.u32 v0, $0x3FFF  }
0x29: {  	v0 =	vshll.u32 v0, $0x4;
	_ =	sdelay $0x3  }
.Ltmp4:
0x2a: {  	s13 =	sadd.s32 $0x800, s13;
	(pc) =	sbr.rel @p0 .LBB2_5-.Ltmp4, $4  }
0x2b: {  	[tilespmem:s13], [sflag:$0x1] =	stream.indirect_vreg.gather [hbm:s3], $0x80, v0, vm0, $0x38;
	[tilespmem:$0x8100] =	vst v63  }
0x2c: {  	s15 =	sshra.s32 s14, $0x2;
	s16 =	sadd.s32 $0x400, s13  }
0x2d: {  	[tilespmem:s16], [sflag:$0x1] =	stream.indirect_vreg.gather [hbm:s3], $0x80, v0, vm1, $0x38;
	[tilespmem:$0x8100] =	vst v63  }
0x2e: {  	s14 =	sadd.s32 $0x40, s14;
	v0 =	vld.msk [tilespmem:s15+$0x80 ss:$0x1], $0xffff  }
0x2f: {  	_ =	sdelay $0x3  }
0x30: {  	vm2 =	vgt.s32 v0, $0x0  }
0x31: {  	v0 =	vnsel vm2, $0x0, v0  }
0x32: {  	v0 =	vmin.u32 v0, $0x3FFF  }
0x33: {  	v0 =	vshll.u32 v0, $0x4;
	_ =	sdelay $0x3  }
0x34: {  	s13 =	sadd.s32 $0x800, s13  }
0x35: {  	[tilespmem:s13], [sflag:$0x1] =	stream.indirect_vreg.gather [hbm:s3], $0x80, v0, vm0, $0x38;
	[tilespmem:$0x8100] =	vst v63  }
0x36: {  	s13 =	sadd.s32 $0x400, s13  }
0x37: {  	[tilespmem:s13], [sflag:$0x1] =	stream.indirect_vreg.gather [hbm:s3], $0x80, v0, vm1, $0x38;
	[tilespmem:$0x8100] =	vst v63  }
0x38: {  	s12 =	sshll.u32 s12, $0x4;
	s14 =	simm.s32 $0x80;
	_ =	swait.ge [sflag:s4], $0x4000  }
0x39: {  	s15 =	simm.s32 $0x4500;
	s12 =	sadd.s32 s12, s7;
	[sflag:s4] =	ssyncset.done $0x0  }
0x3a: {  	s16 =	sadd.s32 $0x0, s12;
	s13 =	simm.s32 $0x4100;
	[sflag:s4] =	ssyncadd.s32 $0xFFFFC000  }
.LBB2_7:
0x3b: {  	[hbm:s16] =	stream.linear.scatter [tilespmem:s13], [sflag:$0x3], $0x400, $0x38;
	[tilespmem:$0x8100] =	vst v63  }
0x3c: {  	s16 =	smov.u32 s14;
	s13 =	smov.u32 s15;
	p0 =	sne.s32 s14, $0x780  }
.Ltmp5:
0x3d: {  	s14 =	sadd.s32 $0x80, s14;
	(pc) =	sbr.rel @p0 .LBB2_7-.Ltmp5, $2  }
0x3e: {  	_ =	sdelay $0x2  }
0x3f: {  	s15 =	sadd.s32 $0x400, s15;
	s16 =	sadd.s32 s16, s12  }
.Ltmp6:
0x40: {  	(pc) =	sbr.rel .LBB2_9-.Ltmp6, $2  }
0x41: {  	_ =	sdelay $0x2  }
0x42: {  	[hbm:s16] =	stream.linear.scatter [tilespmem:s13], [sflag:$0x3], $0x400, $0x38;
	[tilespmem:$0x8100] =	vst v63  }
.LBB2_2:
.Ltmp7:
0x43: {  	(pc) =	sbr.rel .LBB2_10-.Ltmp7, $4  }
0x44: {  	_ = 	snop  }
0x45: {  	s12 =	sshrl.u32 s11, $0x3  }
0x46: {  	s13 =	sand.u32 $0x7, s11;
	s12 =	sadd.s32 s2, s12  }
0x47: {  	[tilespmem:s9], [sflag:$0x2] =	stream.linear.gather [hbm4b:s12+s13], $0x80, $0x38;
	[tilespmem:$0x8100] =	vst v63  }
.LBB2_11:
0x48: {  	s2 =	simm.s32 $0x3  }
0x49: {  	_ =	swait.ge [sflag:s2], $0x4000  }
0x4a: {  	[sflag:s2] =	ssyncset.done $0x0  }
0x4b: {  	[sflag:s2] =	ssyncadd.s32 $0xFFFFC000  }
0x4c: {  	_ =	sfence.sel $0x180000  }
0x4d: {  	s3 =	simm.s32 $0x2;
	[bflag:$0x0] =	sbarrier.arrive $0xFFFF  }
0x4e: {  	[sflag:s3] =	ssyncpa.u1 $0x1  }
0x4f: {  	s31 =	simm.s32 $0x1;
	[sflag:s2] =	ssyncpa.u1 $0x1  }
0x50: {  	[sflag:s31] =	ssyncpa.u1 $0x1  }
0x51: {  	p0 =	sne.s32 s1, $0x0;
	_ =	strace $0x90000047  }
0x52: {  	s0 =	sadd.s32 @!p0 $0x100000, s0;
	[bflag:$0x2] =	sbarrier.arrive $0xFFFF  }
0x53: {  	[sflag:s0] =	ssyncadd.tile.s32 @!p0 $0x1;
	_ =	shalt  }
.Lfunc_end2:
_tile_overlayer_lowered:
.L_overlay_start_2:
0x54: {  	(tag) =	ssettag $0x2  }
0x55: {  	s0 =	rddreg [dreg:$0x0];
	s2 =	stileid.u32  }
0x56: {  	s1 =	rddreg [dreg:$0x1];
	p0 =	sne.s32 s2, $0x0  }
0x57: {  	s3 =	rddreg [dreg:$0x2];
	[bflag:$0x3] =	sbarrier.arrive $0xFFFF;
	s2 =	simm.s32 @!p0 $0x1C01  }
0x58: {  	[timem:s3], [sflag:s2] =	dma.local @!p0 [hbm:s0], s1  }
0x59: {  	s0 =	simm.s32 @!p0 $0x1  }
0x5a: {  	_ =	swait.ge @!p0 [sflag:s0], s1  }
0x5b: {  	s1 =	ssub.s32 @!p0 $0x0, s1;
	[sflag:s0] =	ssyncset.done @!p0 $0x0  }
0x5c: {  	[sflag:s0] =	ssyncadd.s32 @!p0 s1  }
0x5d: {  	[bflag:$0x3] =	sbarrier.arrive $0xFFFF  }
0x5e: {  	_ =	shalt  }

</sc_bundles>
